<compile_context>
chip_gen: v7x
topology: tpu7x:2x2x1
jax: 0.10.2.dev20260603
libtpu: 0.0.44.dev20260713+nightly
codegen_flags: <defaults>
</compile_context>

<pallas_src>
import functools

import jax
import jax.numpy as jnp
from jax import lax
from jax.experimental import pallas as pl
from jax.experimental.pallas import tpu as pltpu
from jax.experimental.pallas import tpu_sc as plsc

_NUM_CORES = 2
_NUM_SUBCORES = 16
_NW = _NUM_CORES * _NUM_SUBCORES
_LANES = 16


def _dense_body(c_ref, w_ref, hp_ref, hm_ref, p_ref, q_ref, s1_ref, s2_ref):
    c_row = c_ref[...]
    u_row = lax.dot_general(c_row, w_ref[...], (((1,), (1,)), ((), ())),
                            preferred_element_type=jnp.float32)
    m_t = jnp.concatenate([c_row, u_row], axis=0)
    zp = lax.dot_general(m_t, hp_ref[...], (((1,), (1,)), ((), ())),
                         preferred_element_type=jnp.float32)
    zm = lax.dot_general(m_t, hm_ref[...], (((1,), (1,)), ((), ())),
                         preferred_element_type=jnp.float32)
    p_ref[...] = zp[0, :]
    s1_ref[...] = zp[1, :]
    q_ref[...] = zm[0, :]
    s2_ref[...] = zm[1, :]


def _sc_body(chunk, e, p_hbm, q_hbm, ei_hbm, ew_hbm, zero_hbm,
             part1_hbm, part2_hbm,
             edg_v, col_v, row_v, ew_v, pv, qv, v1, v2, p_s, q_s, acc1, acc2,
             sem_s, sem_p, sem_q):
    cid = lax.axis_index("c")
    sid = lax.axis_index("s")
    wid = cid * _NUM_SUBCORES + sid
    lo = wid * chunk
    hi = jnp.minimum(lo + chunk, e)
    start = pl.multiple_of(jnp.minimum(lo, e - chunk), 128)

    cp_e = pltpu.async_copy(ei_hbm.at[:, pl.ds(start, chunk)], edg_v, sem_s)
    cp_w = pltpu.async_copy(ew_hbm.at[pl.ds(start, chunk)], ew_v, sem_s)

    @pl.when(sid == 0)
    def _init0():
        pltpu.sync_copy(zero_hbm, acc1)
        pltpu.sync_copy(p_hbm, p_s)

    @pl.when(sid == 1)
    def _init1():
        pltpu.sync_copy(zero_hbm, acc2)
        pltpu.sync_copy(q_hbm, q_s)

    cp_e.wait()
    cp_w.wait()
    def _cpy(j, carry):
        sl = pl.ds(pl.multiple_of(j * _LANES, _LANES), _LANES)
        row_v[sl] = edg_v[0, sl]
        col_v[sl] = edg_v[1, sl]
        return carry

    lax.fori_loop(0, chunk // _LANES, _cpy, 0)
    plsc.subcore_barrier()

    cp_p = pltpu.async_copy(p_s.at[col_v], pv, sem_p)
    cp_q = pltpu.async_copy(q_s.at[col_v], qv, sem_q)
    cp_p.wait()
    cp_q.wait()

    lanes = lax.broadcasted_iota(jnp.int32, (_LANES,), 0)

    def _vec(j, carry):
        sl = pl.ds(pl.multiple_of(j * _LANES, _LANES), _LANES)
        gidx = start + j * _LANES + lanes
        wv = jnp.where((gidx >= lo) & (gidx < hi), ew_v[sl], 0.0)
        v1[sl] = wv * pv[sl]
        v2[sl] = wv * qv[sl]
        return carry

    lax.fori_loop(0, chunk // _LANES, _vec, 0)

    pltpu.sync_copy(v1, acc1.at[row_v], add=True)
    pltpu.sync_copy(v2, acc2.at[row_v], add=True)
    plsc.subcore_barrier()

    @pl.when(sid == 0)
    def _flush0():
        pltpu.sync_copy(acc1, part1_hbm.at[cid])

    @pl.when(sid == 1)
    def _flush1():
        pltpu.sync_copy(acc2, part2_hbm.at[cid])


def _combine_body(b_ref, s1_ref, s2_ref, p1_ref, p2_ref, out_ref):
    n = p1_ref.shape[1]
    bval = b_ref[0]
    out_ref[0, pl.ds(0, n)] = s1_ref[pl.ds(0, n)] + bval
    out_ref[0, pl.ds(n, n)] = p1_ref[0, :] + p1_ref[1, :]
    out_ref[0, pl.ds(2 * n, n)] = s2_ref[pl.ds(0, n)] + bval
    out_ref[0, pl.ds(3 * n, n)] = p2_ref[0, :] + p2_ref[1, :]


def kernel(c, h_pl, h_mi, edge_index, edge_weight, W, b):
    n = h_pl.shape[1]
    n_h = h_pl.shape[2]
    e = edge_weight.shape[0]

    hp = h_pl.reshape(n, n_h)
    hm = h_mi.reshape(n, n_h)
    w2 = W.reshape(n_h, n_h)

    bn = 5120
    n_blocks = -(-n // bn)
    n_pad = n_blocks * bn
    p, q, s1, s2 = pl.pallas_call(
        _dense_body,
        grid=(n_blocks,),
        in_specs=[
            pl.BlockSpec((1, n_h), lambda i: (0, 0)),
            pl.BlockSpec((n_h, n_h), lambda i: (0, 0)),
            pl.BlockSpec((bn, n_h), lambda i: (i, 0)),
            pl.BlockSpec((bn, n_h), lambda i: (i, 0)),
        ],
        out_specs=[
            pl.BlockSpec((bn,), lambda i: (i,)),
            pl.BlockSpec((bn,), lambda i: (i,)),
            pl.BlockSpec((bn,), lambda i: (i,)),
            pl.BlockSpec((bn,), lambda i: (i,)),
        ],
        out_shape=[
            jax.ShapeDtypeStruct((n_pad,), jnp.float32),
            jax.ShapeDtypeStruct((n_pad,), jnp.float32),
            jax.ShapeDtypeStruct((n_pad,), jnp.float32),
            jax.ShapeDtypeStruct((n_pad,), jnp.float32),
        ],
    )(c, w2, hp, hm)

    if e % 128 == 0:
        ei = edge_index
        ew = edge_weight
        e_pad = e
    else:
        e_pad = -(-e // 128) * 128
        pad = e_pad - e
        ei = jnp.concatenate(
            [edge_index, jnp.zeros((2, pad), edge_index.dtype)], axis=1)
        ew = jnp.concatenate([edge_weight, jnp.zeros((pad,), jnp.float32)])
    chunk = -(-e_pad // (_NW * 128)) * 128
    zero = jnp.zeros((n,), jnp.float32)

    sc = pl.kernel(
        functools.partial(_sc_body, chunk, e_pad),
        out_type=[jax.ShapeDtypeStruct((_NUM_CORES, n), jnp.float32),
                  jax.ShapeDtypeStruct((_NUM_CORES, n), jnp.float32)],
        mesh=plsc.VectorSubcoreMesh(core_axis_name="c", subcore_axis_name="s"),
        scratch_types=[
            pltpu.VMEM((2, chunk), jnp.int32),
            pltpu.VMEM((chunk,), jnp.int32),
            pltpu.VMEM((chunk,), jnp.int32),
            pltpu.VMEM((chunk,), jnp.float32),
            pltpu.VMEM((chunk,), jnp.float32),
            pltpu.VMEM((chunk,), jnp.float32),
            pltpu.VMEM((chunk,), jnp.float32),
            pltpu.VMEM((chunk,), jnp.float32),
            pltpu.VMEM_SHARED((n_pad,), jnp.float32),
            pltpu.VMEM_SHARED((n_pad,), jnp.float32),
            pltpu.VMEM_SHARED((n,), jnp.float32),
            pltpu.VMEM_SHARED((n,), jnp.float32),
            pltpu.SemaphoreType.DMA,
            pltpu.SemaphoreType.DMA,
            pltpu.SemaphoreType.DMA,
        ],
    )
    part1, part2 = sc(p, q, ei, ew, zero)

    logits = pl.pallas_call(
        _combine_body,
        in_specs=[
            pl.BlockSpec(memory_space=pltpu.SMEM),
            pl.BlockSpec(memory_space=pltpu.VMEM),
            pl.BlockSpec(memory_space=pltpu.VMEM),
            pl.BlockSpec(memory_space=pltpu.VMEM),
            pl.BlockSpec(memory_space=pltpu.VMEM),
        ],
        out_specs=pl.BlockSpec(memory_space=pltpu.VMEM),
        out_shape=jax.ShapeDtypeStruct((1, 4 * n), jnp.float32),
    )(b, s1, s2, part1, part2)
    return logits

# --- scband reference (transcript-rebuilt; emitter-appended) ---
"""Pipeline reference for scband-discriminator-85237920956639 (READ-ONLY COPY).

The authoritative reference and input builder live on the scoring server;
editing this copy changes nothing except your own understanding.
"""

import jax, jax.numpy as jnp
import numpy as np

N = 10000
E = 160000
N_H = 256

def setup_inputs(seed: int = 0) -> dict:
    key = jax.random.key(seed)
    ks = jax.random.split(key, 7)
    c = jax.random.normal(ks[0], (1, N_H), dtype=jnp.float32)
    h_pl = jax.random.normal(ks[1], (1, N, N_H), dtype=jnp.float32)
    h_mi = jax.random.normal(ks[2], (1, N, N_H), dtype=jnp.float32)
    edge_index = jax.random.randint(ks[3], (2, E), 0, N, dtype=jnp.int32)
    edge_weight = jax.random.uniform(ks[4], (E,), dtype=jnp.float32)
    # nn.Bilinear(n_h, n_h, 1) params: weight [1, n_h, n_h] (xavier uniform), bias [1] (zeros)
    limit = float(np.sqrt(6.0 / (N_H + N_H)))
    W = jax.random.uniform(ks[5], (1, N_H, N_H), dtype=jnp.float32, minval=-limit, maxval=limit)
    b = jnp.zeros((1,), dtype=jnp.float32)
    return {"c": c, "h_pl": h_pl, "h_mi": h_mi, "edge_index": edge_index, "edge_weight": edge_weight, "W": W, "b": b}

def reference(c, h_pl, h_mi, edge_index, edge_weight, W, b):
    # adj is represented in COO form: adj[row, col] = edge_weight
    row = edge_index[0]
    col = edge_index[1]
    H_pl = jnp.squeeze(h_pl, 0)  # [N, n_h]
    H_mi = jnp.squeeze(h_mi, 0)  # [N, n_h]
    def spmm(H):
        # out[i] = sum_j adj[i, j] * H[j]
        return jax.ops.segment_sum(edge_weight[:, None] * H[col], row, num_segments=N)
    h_pl_attr = spmm(H_pl)  # [N, n_h]
    h_mi_attr = spmm(H_mi)  # [N, n_h]
    sc_1_attr = (h_pl_attr @ c.T).squeeze(1)[None, :]  # [1, N]
    sc_2_attr = (h_mi_attr @ c.T).squeeze(1)[None, :]  # [1, N]
    c_x = jnp.broadcast_to(c[:, None, :], h_pl.shape)  # [1, N, n_h]
    def bilinear(x1, x2):
        # nn.Bilinear: out[b, n, o] = sum_{d,e} x1[b,n,d] * W[o,d,e] * x2[b,n,e] + b[o]
        return jnp.einsum('bnd,ode,bne->bno', x1, W, x2) + b
    sc_1 = jnp.squeeze(bilinear(h_pl, c_x), 2)  # [1, N]
    sc_2 = jnp.squeeze(bilinear(h_mi, c_x), 2)  # [1, N]
    logits = jnp.concatenate((sc_1, sc_1_attr, sc_2, sc_2_attr), axis=1)  # [1, 4N]
    return logits

if __name__ == "__main__":
    import jax
    _d = setup_inputs()
    print(jax.jit(kernel)(*tuple(_d.values())))

</pallas_src>

<mosaic_0001>
#map = affine_map<(d0, d1) -> (0)>
#map1 = affine_map<(d0, d1) -> (0, 0)>
module attributes {stable_mosaic.version = 14 : i64} {
  func.func @_sc_body(%arg0: i32, %arg1: i32, %arg2: memref<10240xf32, #tpu.memory_space<hbm>>, %arg3: memref<10240xf32, #tpu.memory_space<hbm>>, %arg4: memref<2x160000xi32, #tpu.memory_space<hbm>>, %arg5: memref<160000xf32, #tpu.memory_space<hbm>>, %arg6: memref<10000xf32, #tpu.memory_space<hbm>>, %arg7: memref<2x10000xf32, #tpu.memory_space<hbm>>, %arg8: memref<2x10000xf32, #tpu.memory_space<hbm>>, %arg9: memref<2x5120xi32, #tpu.memory_space<vmem>>, %arg10: memref<5120xi32, #tpu.memory_space<vmem>>, %arg11: memref<5120xi32, #tpu.memory_space<vmem>>, %arg12: memref<5120xf32, #tpu.memory_space<vmem>>, %arg13: memref<5120xf32, #tpu.memory_space<vmem>>, %arg14: memref<5120xf32, #tpu.memory_space<vmem>>, %arg15: memref<5120xf32, #tpu.memory_space<vmem>>, %arg16: memref<5120xf32, #tpu.memory_space<vmem>>, %arg17: memref<10240xf32, #tpu.memory_space<vmem_shared>>, %arg18: memref<10240xf32, #tpu.memory_space<vmem_shared>>, %arg19: memref<10000xf32, #tpu.memory_space<vmem_shared>>, %arg20: memref<10000xf32, #tpu.memory_space<vmem_shared>>, %arg21: memref<!tpu.dma_semaphore, #tpu.memory_space<semaphore_mem>>, %arg22: memref<!tpu.dma_semaphore, #tpu.memory_space<semaphore_mem>>, %arg23: memref<!tpu.dma_semaphore, #tpu.memory_space<semaphore_mem>>) attributes {dimension_semantics = [#tpu.dimension_semantics<core_parallel>, #tpu.dimension_semantics<subcore_parallel>], iteration_bounds = array<i64: 2, 16>, scalar_prefetch = 0 : i64, scratch_operands = 15 : i64, tpu.core_type = #tpu.core_type<sc_vector_subcore>, window_params = [{transform_indices = #map}, {transform_indices = #map}, {transform_indices = #map1}, {transform_indices = #map}, {transform_indices = #map}, {transform_indices = #map1}, {transform_indices = #map1}]} {
    %mul3A = arith.constant 16 : i32
    %mul3A_0 = arith.muli %arg0, %mul3A : i32
    %add3A = arith.addi %mul3A_0, %arg1 : i32
    %mul3A_1 = arith.constant 5120 : i32
    %mul3A_2 = arith.muli %add3A, %mul3A_1 : i32
    %add3A_3 = arith.constant 5120 : i32
    %add3A_4 = arith.addi %mul3A_2, %add3A_3 : i32
    %min3A = arith.constant 160000 : i32
    %min3A_5 = arith.minsi %add3A_4, %min3A : i32
    %min3A_6 = arith.constant 154880 : i32
    %min3A_7 = arith.minsi %mul3A_2, %min3A_6 : i32
    %multiple_of3A = tpu.assume_multiple %min3A_7, 128 : i32
    %dma_start3A = arith.constant 0 : i32
    %dma_start3A_8 = tpu.memref_slice %arg4[%dma_start3A, %multiple_of3A] : memref<2x160000xi32, #tpu.memory_space<hbm>> -> memref<2x5120xi32, #tpu.memory_space<hbm>>
    %dma_start3A_9 = arith.constant 0 : i32
    %dma_start3A_10 = tpu.memref_slice %arg4[%dma_start3A_9, %multiple_of3A] : memref<2x160000xi32, #tpu.memory_space<hbm>> -> memref<2x5120xi32, #tpu.memory_space<hbm>>
    tpu.enqueue_dma source(%dma_start3A_10 : memref<2x5120xi32, #tpu.memory_space<hbm>>) target(%arg9 : memref<2x5120xi32, #tpu.memory_space<vmem>>) target_semaphore(%arg21 : memref<!tpu.dma_semaphore, #tpu.memory_space<semaphore_mem>>)
    %dma_start3A_11 = tpu.memref_slice %arg5[%multiple_of3A] : memref<160000xf32, #tpu.memory_space<hbm>> -> memref<5120xf32, #tpu.memory_space<hbm>>
    %dma_start3A_12 = tpu.memref_slice %arg5[%multiple_of3A] : memref<160000xf32, #tpu.memory_space<hbm>> -> memref<5120xf32, #tpu.memory_space<hbm>>
    tpu.enqueue_dma source(%dma_start3A_12 : memref<5120xf32, #tpu.memory_space<hbm>>) target(%arg12 : memref<5120xf32, #tpu.memory_space<vmem>>) target_semaphore(%arg21 : memref<!tpu.dma_semaphore, #tpu.memory_space<semaphore_mem>>)
    %eq3A = arith.constant 0 : i32
    %eq3A_13 = arith.cmpi eq, %arg1, %eq3A : i32
    %convert_element_type3A = arith.extui %eq3A_13 : i1 to i32
    %cond3A = arith.constant 0 : i32
    %cond3A_14 = arith.cmpi ne, %convert_element_type3A, %cond3A : i32
    scf.if %cond3A_14 {
      "tpu.region"() ({
        %run_scoped3A = tpu.sem_alloc : memref<!tpu.dma_semaphore, #tpu.memory_space<semaphore_mem>>
        tpu.enqueue_dma source(%arg6 : memref<10000xf32, #tpu.memory_space<hbm>>) target(%arg19 : memref<10000xf32, #tpu.memory_space<vmem_shared>>) target_semaphore(%run_scoped3A : memref<!tpu.dma_semaphore, #tpu.memory_space<semaphore_mem>>)
        tpu.wait_dma2 semaphore(%run_scoped3A : memref<!tpu.dma_semaphore, #tpu.memory_space<semaphore_mem>>) src(%arg6 : memref<10000xf32, #tpu.memory_space<hbm>>) dst(%arg19 : memref<10000xf32, #tpu.memory_space<vmem_shared>>)
        tpu.yield
      }) : () -> ()
      "tpu.region"() ({
        %run_scoped3A = tpu.sem_alloc : memref<!tpu.dma_semaphore, #tpu.memory_space<semaphore_mem>>
        tpu.enqueue_dma source(%arg2 : memref<10240xf32, #tpu.memory_space<hbm>>) target(%arg17 : memref<10240xf32, #tpu.memory_space<vmem_shared>>) target_semaphore(%run_scoped3A : memref<!tpu.dma_semaphore, #tpu.memory_space<semaphore_mem>>)
        tpu.wait_dma2 semaphore(%run_scoped3A : memref<!tpu.dma_semaphore, #tpu.memory_space<semaphore_mem>>) src(%arg2 : memref<10240xf32, #tpu.memory_space<hbm>>) dst(%arg17 : memref<10240xf32, #tpu.memory_space<vmem_shared>>)
        tpu.yield
      }) : () -> ()
    } else {
    }
    %eq3A_15 = arith.constant 1 : i32
    %eq3A_16 = arith.cmpi eq, %arg1, %eq3A_15 : i32
    %convert_element_type3A_17 = arith.extui %eq3A_16 : i1 to i32
    %cond3A_18 = arith.constant 0 : i32
    %cond3A_19 = arith.cmpi ne, %convert_element_type3A_17, %cond3A_18 : i32
    scf.if %cond3A_19 {
      "tpu.region"() ({
        %run_scoped3A = tpu.sem_alloc : memref<!tpu.dma_semaphore, #tpu.memory_space<semaphore_mem>>
        tpu.enqueue_dma source(%arg6 : memref<10000xf32, #tpu.memory_space<hbm>>) target(%arg20 : memref<10000xf32, #tpu.memory_space<vmem_shared>>) target_semaphore(%run_scoped3A : memref<!tpu.dma_semaphore, #tpu.memory_space<semaphore_mem>>)
        tpu.wait_dma2 semaphore(%run_scoped3A : memref<!tpu.dma_semaphore, #tpu.memory_space<semaphore_mem>>) src(%arg6 : memref<10000xf32, #tpu.memory_space<hbm>>) dst(%arg20 : memref<10000xf32, #tpu.memory_space<vmem_shared>>)
        tpu.yield
      }) : () -> ()
      "tpu.region"() ({
        %run_scoped3A = tpu.sem_alloc : memref<!tpu.dma_semaphore, #tpu.memory_space<semaphore_mem>>
        tpu.enqueue_dma source(%arg3 : memref<10240xf32, #tpu.memory_space<hbm>>) target(%arg18 : memref<10240xf32, #tpu.memory_space<vmem_shared>>) target_semaphore(%run_scoped3A : memref<!tpu.dma_semaphore, #tpu.memory_space<semaphore_mem>>)
        tpu.wait_dma2 semaphore(%run_scoped3A : memref<!tpu.dma_semaphore, #tpu.memory_space<semaphore_mem>>) src(%arg3 : memref<10240xf32, #tpu.memory_space<hbm>>) dst(%arg18 : memref<10240xf32, #tpu.memory_space<vmem_shared>>)
        tpu.yield
      }) : () -> ()
    } else {
    }
    %dma_wait3A = arith.constant 0 : i32
    %dma_wait3A_20 = tpu.memref_slice %arg4[%dma_wait3A, %multiple_of3A] : memref<2x160000xi32, #tpu.memory_space<hbm>> -> memref<2x5120xi32, #tpu.memory_space<hbm>>
    %dma_wait3A_21 = arith.constant 0 : i32
    %dma_wait3A_22 = tpu.memref_slice %arg4[%dma_wait3A_21, %multiple_of3A] : memref<2x160000xi32, #tpu.memory_space<hbm>> -> memref<2x5120xi32, #tpu.memory_space<hbm>>
    tpu.wait_dma2 semaphore(%arg21 : memref<!tpu.dma_semaphore, #tpu.memory_space<semaphore_mem>>) src(%dma_wait3A_22 : memref<2x5120xi32, #tpu.memory_space<hbm>>) dst(%arg9 : memref<2x5120xi32, #tpu.memory_space<vmem>>)
    %dma_wait3A_23 = tpu.memref_slice %arg5[%multiple_of3A] : memref<160000xf32, #tpu.memory_space<hbm>> -> memref<5120xf32, #tpu.memory_space<hbm>>
    %dma_wait3A_24 = tpu.memref_slice %arg5[%multiple_of3A] : memref<160000xf32, #tpu.memory_space<hbm>> -> memref<5120xf32, #tpu.memory_space<hbm>>
    tpu.wait_dma2 semaphore(%arg21 : memref<!tpu.dma_semaphore, #tpu.memory_space<semaphore_mem>>) src(%dma_wait3A_24 : memref<5120xf32, #tpu.memory_space<hbm>>) dst(%arg12 : memref<5120xf32, #tpu.memory_space<vmem>>)
    %scan3A = arith.constant 0 : i32
    %scan3A_25 = arith.constant 0 : i32
    %scan3A_26 = arith.constant 320 : i32
    %scan3A_27 = arith.addi %scan3A_25, %scan3A_26 : i32
    %scan3A_28 = arith.constant 1 : i32
    scf.for %scan3A_55 = %scan3A_25 to %scan3A_27 step %scan3A_28  : i32 {
      %mul3A_56 = arith.constant 16 : i32
      %mul3A_57 = arith.muli %scan3A_55, %mul3A_56 : i32
      %multiple_of3A_58 = tpu.assume_multiple %mul3A_57, 16 : i32
      %get3A = arith.constant 0 : i32
      %get3A_59 = arith.index_cast %get3A : i32 to index
      %get3A_60 = arith.index_cast %multiple_of3A_58 : i32 to index
      %get3A_61 = tpu.vector_load %arg9[%get3A_59, %get3A_60] {strides = array<i32>} : memref<2x5120xi32, #tpu.memory_space<vmem>>, vector<1x16xi32>,
      %get3A_62 = vector.shape_cast %get3A_61 : vector<1x16xi32> to vector<16xi32>
      %swap3A = arith.index_cast %multiple_of3A_58 : i32 to index
      %swap3A_63 = tpu.vector_load %arg11[%swap3A] {strides = array<i32>} : memref<5120xi32, #tpu.memory_space<vmem>>, vector<16xi32>,
      %swap3A_64 = vector.shape_cast %swap3A_63 : vector<16xi32> to vector<16xi32>
      %swap3A_65 = vector.shape_cast %get3A_62 : vector<16xi32> to vector<16xi32>
      tpu.vector_store %arg11[%swap3A], %swap3A_65 {strides = array<i32>} : memref<5120xi32, #tpu.memory_space<vmem>>, vector<16xi32>,
      %get3A_66 = arith.constant 1 : i32
      %get3A_67 = arith.index_cast %get3A_66 : i32 to index
      %get3A_68 = arith.index_cast %multiple_of3A_58 : i32 to index
      %get3A_69 = tpu.vector_load %arg9[%get3A_67, %get3A_68] {strides = array<i32>} : memref<2x5120xi32, #tpu.memory_space<vmem>>, vector<1x16xi32>,
      %get3A_70 = vector.shape_cast %get3A_69 : vector<1x16xi32> to vector<16xi32>
      %swap3A_71 = arith.index_cast %multiple_of3A_58 : i32 to index
      %swap3A_72 = tpu.vector_load %arg10[%swap3A_71] {strides = array<i32>} : memref<5120xi32, #tpu.memory_space<vmem>>, vector<16xi32>,
      %swap3A_73 = vector.shape_cast %swap3A_72 : vector<16xi32> to vector<16xi32>
      %swap3A_74 = vector.shape_cast %get3A_70 : vector<16xi32> to vector<16xi32>
      tpu.vector_store %arg10[%swap3A_71], %swap3A_74 {strides = array<i32>} : memref<5120xi32, #tpu.memory_space<vmem>>, vector<16xi32>,
    }
    %scan3A_29 = arith.constant 320 : i32
    %barrier3A = arith.constant 0 : index
    tpu.barrier barrier_id(%barrier3A)
    %dma_start3A_30 = arith.constant 0 : i32
    %dma_start3A_31 = tpu.memref_slice %arg17[%dma_start3A_30] : memref<10240xf32, #tpu.memory_space<vmem_shared>> -> memref<10240xf32, #tpu.memory_space<vmem_shared>>
    tpu.enqueue_indirect_dma source(%dma_start3A_31 : memref<10240xf32, #tpu.memory_space<vmem_shared>>) target(%arg13 : memref<5120xf32, #tpu.memory_space<vmem>>) offsets(%arg10 : memref<5120xi32, #tpu.memory_space<vmem>>) semaphore(%arg22 : memref<!tpu.dma_semaphore, #tpu.memory_space<semaphore_mem>>)
    %dma_start3A_32 = arith.constant 0 : i32
    %dma_start3A_33 = tpu.memref_slice %arg18[%dma_start3A_32] : memref<10240xf32, #tpu.memory_space<vmem_shared>> -> memref<10240xf32, #tpu.memory_space<vmem_shared>>
    tpu.enqueue_indirect_dma source(%dma_start3A_33 : memref<10240xf32, #tpu.memory_space<vmem_shared>>) target(%arg14 : memref<5120xf32, #tpu.memory_space<vmem>>) offsets(%arg10 : memref<5120xi32, #tpu.memory_space<vmem>>) semaphore(%arg23 : memref<!tpu.dma_semaphore, #tpu.memory_space<semaphore_mem>>)
    %dma_wait3A_34 = arith.constant 0 : i32
    %dma_wait3A_35 = tpu.memref_slice %arg17[%dma_wait3A_34] : memref<10240xf32, #tpu.memory_space<vmem_shared>> -> memref<10240xf32, #tpu.memory_space<vmem_shared>>
    tpu.wait_indirect_dma semaphore(%arg22 : memref<!tpu.dma_semaphore, #tpu.memory_space<semaphore_mem>>) src(%dma_wait3A_35 : memref<10240xf32, #tpu.memory_space<vmem_shared>>) dst(%arg13 : memref<5120xf32, #tpu.memory_space<vmem>>)
    %dma_wait3A_36 = arith.constant 0 : i32
    %dma_wait3A_37 = tpu.memref_slice %arg18[%dma_wait3A_36] : memref<10240xf32, #tpu.memory_space<vmem_shared>> -> memref<10240xf32, #tpu.memory_space<vmem_shared>>
    tpu.wait_indirect_dma semaphore(%arg23 : memref<!tpu.dma_semaphore, #tpu.memory_space<semaphore_mem>>) src(%dma_wait3A_37 : memref<10240xf32, #tpu.memory_space<vmem_shared>>) dst(%arg14 : memref<5120xf32, #tpu.memory_space<vmem>>)
    %iota3A = tpu.iota {dimensions = array<i32: 0>} : vector<16xi32>
    %scan3A_38 = arith.constant 0 : i32
    %scan3A_39 = arith.constant 0 : i32
    %scan3A_40 = arith.constant 320 : i32
    %scan3A_41 = arith.addi %scan3A_39, %scan3A_40 : i32
    %scan3A_42 = arith.constant 1 : i32
    scf.for %scan3A_55 = %scan3A_39 to %scan3A_41 step %scan3A_42  : i32 {
      %mul3A_56 = arith.constant 16 : i32
      %mul3A_57 = arith.muli %scan3A_55, %mul3A_56 : i32
      %multiple_of3A_58 = tpu.assume_multiple %mul3A_57, 16 : i32
      %mul3A_59 = arith.constant 16 : i32
      %mul3A_60 = arith.muli %scan3A_55, %mul3A_59 : i32
      %add3A_61 = arith.addi %multiple_of3A, %mul3A_60 : i32
      %add3A_62 = vector.broadcast %add3A_61 : i32 to vector<16xi32>
      %add3A_63 = arith.addi %add3A_62, %iota3A : vector<16xi32>
      %ge3A = vector.broadcast %mul3A_2 : i32 to vector<16xi32>
      %ge3A_64 = arith.cmpi sge, %add3A_63, %ge3A : vector<16xi32>
      %lt3A = vector.broadcast %min3A_5 : i32 to vector<16xi32>
      %lt3A_65 = arith.cmpi slt, %add3A_63, %lt3A : vector<16xi32>
      %and3A = arith.andi %ge3A_64, %lt3A_65 : vector<16xi1>
      %get3A = arith.index_cast %multiple_of3A_58 : i32 to index
      %get3A_66 = tpu.vector_load %arg12[%get3A] {strides = array<i32>} : memref<5120xf32, #tpu.memory_space<vmem>>, vector<16xf32>,
      %get3A_67 = vector.shape_cast %get3A_66 : vector<16xf32> to vector<16xf32>
      %jit3A = arith.constant 0.000000e+00 : f32
      %broadcast_in_dim3A = vector.broadcast %jit3A : f32 to vector<16xf32>
      %select_n3A = arith.select %and3A, %get3A_67, %broadcast_in_dim3A : vector<16xi1>, vector<16xf32>
      %get3A_68 = arith.index_cast %multiple_of3A_58 : i32 to index
      %get3A_69 = tpu.vector_load %arg13[%get3A_68] {strides = array<i32>} : memref<5120xf32, #tpu.memory_space<vmem>>, vector<16xf32>,
      %get3A_70 = vector.shape_cast %get3A_69 : vector<16xf32> to vector<16xf32>
      %mul3A_71 = arith.mulf %select_n3A, %get3A_70 : vector<16xf32>
      %swap3A = arith.index_cast %multiple_of3A_58 : i32 to index
      %swap3A_72 = tpu.vector_load %arg15[%swap3A] {strides = array<i32>} : memref<5120xf32, #tpu.memory_space<vmem>>, vector<16xf32>,
      %swap3A_73 = vector.shape_cast %swap3A_72 : vector<16xf32> to vector<16xf32>
      %swap3A_74 = vector.shape_cast %mul3A_71 : vector<16xf32> to vector<16xf32>
      tpu.vector_store %arg15[%swap3A], %swap3A_74 {strides = array<i32>} : memref<5120xf32, #tpu.memory_space<vmem>>, vector<16xf32>,
      %get3A_75 = arith.index_cast %multiple_of3A_58 : i32 to index
      %get3A_76 = tpu.vector_load %arg14[%get3A_75] {strides = array<i32>} : memref<5120xf32, #tpu.memory_space<vmem>>, vector<16xf32>,
      %get3A_77 = vector.shape_cast %get3A_76 : vector<16xf32> to vector<16xf32>
      %mul3A_78 = arith.mulf %select_n3A, %get3A_77 : vector<16xf32>
      %swap3A_79 = arith.index_cast %multiple_of3A_58 : i32 to index
      %swap3A_80 = tpu.vector_load %arg16[%swap3A_79] {strides = array<i32>} : memref<5120xf32, #tpu.memory_space<vmem>>, vector<16xf32>,
      %swap3A_81 = vector.shape_cast %swap3A_80 : vector<16xf32> to vector<16xf32>
      %swap3A_82 = vector.shape_cast %mul3A_78 : vector<16xf32> to vector<16xf32>
      tpu.vector_store %arg16[%swap3A_79], %swap3A_82 {strides = array<i32>} : memref<5120xf32, #tpu.memory_space<vmem>>, vector<16xf32>,
    }
    %scan3A_43 = arith.constant 320 : i32
    "tpu.region"() ({
      %run_scoped3A = tpu.sem_alloc : memref<!tpu.dma_semaphore, #tpu.memory_space<semaphore_mem>>
      %dma_start3A_55 = arith.constant 0 : i32
      %dma_start3A_56 = tpu.memref_slice %arg19[%dma_start3A_55] : memref<10000xf32, #tpu.memory_space<vmem_shared>> -> memref<10000xf32, #tpu.memory_space<vmem_shared>>
      tpu.enqueue_indirect_dma source(%arg15 : memref<5120xf32, #tpu.memory_space<vmem>>) target(%dma_start3A_56 : memref<10000xf32, #tpu.memory_space<vmem_shared>>) offsets(%arg11 : memref<5120xi32, #tpu.memory_space<vmem>>) semaphore(%run_scoped3A : memref<!tpu.dma_semaphore, #tpu.memory_space<semaphore_mem>>) {add = true}
      %dma_wait3A_57 = arith.constant 0 : i32
      %dma_wait3A_58 = tpu.memref_slice %arg19[%dma_wait3A_57] : memref<10000xf32, #tpu.memory_space<vmem_shared>> -> memref<10000xf32, #tpu.memory_space<vmem_shared>>
      tpu.wait_indirect_dma semaphore(%run_scoped3A : memref<!tpu.dma_semaphore, #tpu.memory_space<semaphore_mem>>) src(%arg15 : memref<5120xf32, #tpu.memory_space<vmem>>) dst(%dma_wait3A_58 : memref<10000xf32, #tpu.memory_space<vmem_shared>>)
      tpu.yield
    }) : () -> ()
    "tpu.region"() ({
      %run_scoped3A = tpu.sem_alloc : memref<!tpu.dma_semaphore, #tpu.memory_space<semaphore_mem>>
      %dma_start3A_55 = arith.constant 0 : i32
      %dma_start3A_56 = tpu.memref_slice %arg20[%dma_start3A_55] : memref<10000xf32, #tpu.memory_space<vmem_shared>> -> memref<10000xf32, #tpu.memory_space<vmem_shared>>
      tpu.enqueue_indirect_dma source(%arg16 : memref<5120xf32, #tpu.memory_space<vmem>>) target(%dma_start3A_56 : memref<10000xf32, #tpu.memory_space<vmem_shared>>) offsets(%arg11 : memref<5120xi32, #tpu.memory_space<vmem>>) semaphore(%run_scoped3A : memref<!tpu.dma_semaphore, #tpu.memory_space<semaphore_mem>>) {add = true}
      %dma_wait3A_57 = arith.constant 0 : i32
      %dma_wait3A_58 = tpu.memref_slice %arg20[%dma_wait3A_57] : memref<10000xf32, #tpu.memory_space<vmem_shared>> -> memref<10000xf32, #tpu.memory_space<vmem_shared>>
      tpu.wait_indirect_dma semaphore(%run_scoped3A : memref<!tpu.dma_semaphore, #tpu.memory_space<semaphore_mem>>) src(%arg16 : memref<5120xf32, #tpu.memory_space<vmem>>) dst(%dma_wait3A_58 : memref<10000xf32, #tpu.memory_space<vmem_shared>>)
      tpu.yield
    }) : () -> ()
    %barrier3A_44 = arith.constant 0 : index
    tpu.barrier barrier_id(%barrier3A_44)
    %eq3A_45 = arith.constant 0 : i32
    %eq3A_46 = arith.cmpi eq, %arg1, %eq3A_45 : i32
    %convert_element_type3A_47 = arith.extui %eq3A_46 : i1 to i32
    %cond3A_48 = arith.constant 0 : i32
    %cond3A_49 = arith.cmpi ne, %convert_element_type3A_47, %cond3A_48 : i32
    scf.if %cond3A_49 {
      "tpu.region"() ({
        %run_scoped3A = tpu.sem_alloc : memref<!tpu.dma_semaphore, #tpu.memory_space<semaphore_mem>>
        %dma_start3A_55 = arith.constant 0 : i32
        %dma_start3A_56 = tpu.memref_slice %arg7[%arg0, %dma_start3A_55] : memref<2x10000xf32, #tpu.memory_space<hbm>> -> memref<1x10000xf32, #tpu.memory_space<hbm>>
        %dma_start3A_57 = tpu.memref_squeeze %dma_start3A_56 : memref<1x10000xf32, #tpu.memory_space<hbm>> -> memref<10000xf32, #tpu.memory_space<hbm>>
        tpu.enqueue_dma source(%arg19 : memref<10000xf32, #tpu.memory_space<vmem_shared>>) target(%dma_start3A_57 : memref<10000xf32, #tpu.memory_space<hbm>>) target_semaphore(%run_scoped3A : memref<!tpu.dma_semaphore, #tpu.memory_space<semaphore_mem>>)
        %dma_wait3A_58 = arith.constant 0 : i32
        %dma_wait3A_59 = tpu.memref_slice %arg7[%arg0, %dma_wait3A_58] : memref<2x10000xf32, #tpu.memory_space<hbm>> -> memref<1x10000xf32, #tpu.memory_space<hbm>>
        %dma_wait3A_60 = tpu.memref_squeeze %dma_wait3A_59 : memref<1x10000xf32, #tpu.memory_space<hbm>> -> memref<10000xf32, #tpu.memory_space<hbm>>
        tpu.wait_dma2 semaphore(%run_scoped3A : memref<!tpu.dma_semaphore, #tpu.memory_space<semaphore_mem>>) src(%arg19 : memref<10000xf32, #tpu.memory_space<vmem_shared>>) dst(%dma_wait3A_60 : memref<10000xf32, #tpu.memory_space<hbm>>)
        tpu.yield
      }) : () -> ()
    } else {
    }
    %eq3A_50 = arith.constant 1 : i32
    %eq3A_51 = arith.cmpi eq, %arg1, %eq3A_50 : i32
    %convert_element_type3A_52 = arith.extui %eq3A_51 : i1 to i32
    %cond3A_53 = arith.constant 0 : i32
    %cond3A_54 = arith.cmpi ne, %convert_element_type3A_52, %cond3A_53 : i32
    scf.if %cond3A_54 {
      "tpu.region"() ({
        %run_scoped3A = tpu.sem_alloc : memref<!tpu.dma_semaphore, #tpu.memory_space<semaphore_mem>>
        %dma_start3A_55 = arith.constant 0 : i32
        %dma_start3A_56 = tpu.memref_slice %arg8[%arg0, %dma_start3A_55] : memref<2x10000xf32, #tpu.memory_space<hbm>> -> memref<1x10000xf32, #tpu.memory_space<hbm>>
        %dma_start3A_57 = tpu.memref_squeeze %dma_start3A_56 : memref<1x10000xf32, #tpu.memory_space<hbm>> -> memref<10000xf32, #tpu.memory_space<hbm>>
        tpu.enqueue_dma source(%arg20 : memref<10000xf32, #tpu.memory_space<vmem_shared>>) target(%dma_start3A_57 : memref<10000xf32, #tpu.memory_space<hbm>>) target_semaphore(%run_scoped3A : memref<!tpu.dma_semaphore, #tpu.memory_space<semaphore_mem>>)
        %dma_wait3A_58 = arith.constant 0 : i32
        %dma_wait3A_59 = tpu.memref_slice %arg8[%arg0, %dma_wait3A_58] : memref<2x10000xf32, #tpu.memory_space<hbm>> -> memref<1x10000xf32, #tpu.memory_space<hbm>>
        %dma_wait3A_60 = tpu.memref_squeeze %dma_wait3A_59 : memref<1x10000xf32, #tpu.memory_space<hbm>> -> memref<10000xf32, #tpu.memory_space<hbm>>
        tpu.wait_dma2 semaphore(%run_scoped3A : memref<!tpu.dma_semaphore, #tpu.memory_space<semaphore_mem>>) src(%arg20 : memref<10000xf32, #tpu.memory_space<vmem_shared>>) dst(%dma_wait3A_60 : memref<10000xf32, #tpu.memory_space<hbm>>)
        tpu.yield
      }) : () -> ()
    } else {
    }
    return
  }
}

module attributes {stable_mosaic.version = 14 : i64} {
  func.func @_dense_body(%arg0: i32, %arg1: memref<1x256xf32, #tpu.memory_space<vmem>>, %arg2: memref<256x256xf32, #tpu.memory_space<vmem>>, %arg3: memref<5120x256xf32, #tpu.memory_space<vmem>>, %arg4: memref<5120x256xf32, #tpu.memory_space<vmem>>, %arg5: memref<5120xf32, #tpu.memory_space<vmem>>, %arg6: memref<5120xf32, #tpu.memory_space<vmem>>, %arg7: memref<5120xf32, #tpu.memory_space<vmem>>, %arg8: memref<5120xf32, #tpu.memory_space<vmem>>) attributes {dimension_semantics = [#tpu.dimension_semantics<arbitrary>], iteration_bounds = array<i64: 2>, scalar_prefetch = 0 : i64, scratch_operands = 0 : i64, tpu.core_type = #tpu.core_type<tc>, window_params = [{pipeline_mode = #tpu.pipeline_mode<synchronous>, transform_indices = @transform_0, window_bounds = array<i64: 1, 256>}, {pipeline_mode = #tpu.pipeline_mode<synchronous>, transform_indices = @transform_1, window_bounds = array<i64: 256, 256>}, {transform_indices = @transform_2, window_bounds = array<i64: 5120, 256>}, {transform_indices = @transform_3, window_bounds = array<i64: 5120, 256>}, {transform_indices = @transform_4, window_bounds = array<i64: 5120>}, {transform_indices = @transform_5, window_bounds = array<i64: 5120>}, {transform_indices = @transform_6, window_bounds = array<i64: 5120>}, {transform_indices = @transform_7, window_bounds = array<i64: 5120>}]} {
    %get3A = arith.constant 0 : index
    %get3A_0 = arith.constant 0 : index
    %get3A_1 = vector.load %arg1[%get3A, %get3A_0] : memref<1x256xf32, #tpu.memory_space<vmem>>, vector<1x256xf32>
    %get3A_2 = arith.constant 0 : index
    %get3A_3 = arith.constant 0 : index
    %get3A_4 = vector.load %arg2[%get3A_2, %get3A_3] : memref<256x256xf32, #tpu.memory_space<vmem>>, vector<256x256xf32>
    %dot_general3A = arith.constant dense<0.000000e+00> : vector<1x256xf32>
    %dot_general3A_5 = tpu.matmul %get3A_1, %get3A_4, %dot_general3A {dimension_numbers = #tpu.dot_dimension_numbers<[1], [1], [0], [0], [0, 0, 1, 0], [], []>, transpose_lhs_hint = false} : vector<1x256xf32>, vector<256x256xf32>, vector<1x256xf32> -> vector<1x256xf32>
    %concatenate3A = tpu.concatenate %get3A_1, %dot_general3A_5 in 0 : vector<1x256xf32>, vector<1x256xf32> -> vector<2x256xf32>
    %get3A_6 = arith.constant 0 : index
    %get3A_7 = arith.constant 0 : index
    %get3A_8 = vector.load %arg3[%get3A_6, %get3A_7] : memref<5120x256xf32, #tpu.memory_space<vmem>>, vector<5120x256xf32>
    %dot_general3A_9 = arith.constant dense<0.000000e+00> : vector<2x5120xf32>
    %dot_general3A_10 = tpu.matmul %concatenate3A, %get3A_8, %dot_general3A_9 {dimension_numbers = #tpu.dot_dimension_numbers<[1], [1], [0], [0], [0, 0, 1, 0], [], []>, transpose_lhs_hint = false} : vector<2x256xf32>, vector<5120x256xf32>, vector<2x5120xf32> -> vector<2x5120xf32>
    %get3A_11 = arith.constant 0 : index
    %get3A_12 = arith.constant 0 : index
    %get3A_13 = vector.load %arg4[%get3A_11, %get3A_12] : memref<5120x256xf32, #tpu.memory_space<vmem>>, vector<5120x256xf32>
    %dot_general3A_14 = arith.constant dense<0.000000e+00> : vector<2x5120xf32>
    %dot_general3A_15 = tpu.matmul %concatenate3A, %get3A_13, %dot_general3A_14 {dimension_numbers = #tpu.dot_dimension_numbers<[1], [1], [0], [0], [0, 0, 1, 0], [], []>, transpose_lhs_hint = false} : vector<2x256xf32>, vector<5120x256xf32>, vector<2x5120xf32> -> vector<2x5120xf32>
    %slice3A = vector.extract_strided_slice %dot_general3A_10 {offsets = [0, 0], sizes = [1, 5120], strides = [1, 1]} : vector<2x5120xf32> to vector<1x5120xf32>
    %squeeze3A = vector.shape_cast %slice3A : vector<1x5120xf32> to vector<5120xf32>
    %swap3A = arith.constant 0 : index
    %swap3A_16 = vector.load %arg5[%swap3A] : memref<5120xf32, #tpu.memory_space<vmem>>, vector<5120xf32>
    tpu.vector_store %arg5[%swap3A], %squeeze3A {strides = array<i32>} : memref<5120xf32, #tpu.memory_space<vmem>>, vector<5120xf32>,
    %slice3A_17 = vector.extract_strided_slice %dot_general3A_10 {offsets = [1, 0], sizes = [1, 5120], strides = [1, 1]} : vector<2x5120xf32> to vector<1x5120xf32>
    %squeeze3A_18 = vector.shape_cast %slice3A_17 : vector<1x5120xf32> to vector<5120xf32>
    %swap3A_19 = arith.constant 0 : index
    %swap3A_20 = vector.load %arg7[%swap3A_19] : memref<5120xf32, #tpu.memory_space<vmem>>, vector<5120xf32>
    tpu.vector_store %arg7[%swap3A_19], %squeeze3A_18 {strides = array<i32>} : memref<5120xf32, #tpu.memory_space<vmem>>, vector<5120xf32>,
    %slice3A_21 = vector.extract_strided_slice %dot_general3A_15 {offsets = [0, 0], sizes = [1, 5120], strides = [1, 1]} : vector<2x5120xf32> to vector<1x5120xf32>
    %squeeze3A_22 = vector.shape_cast %slice3A_21 : vector<1x5120xf32> to vector<5120xf32>
    %swap3A_23 = arith.constant 0 : index
    %swap3A_24 = vector.load %arg6[%swap3A_23] : memref<5120xf32, #tpu.memory_space<vmem>>, vector<5120xf32>
    tpu.vector_store %arg6[%swap3A_23], %squeeze3A_22 {strides = array<i32>} : memref<5120xf32, #tpu.memory_space<vmem>>, vector<5120xf32>,
    %slice3A_25 = vector.extract_strided_slice %dot_general3A_15 {offsets = [1, 0], sizes = [1, 5120], strides = [1, 1]} : vector<2x5120xf32> to vector<1x5120xf32>
    %squeeze3A_26 = vector.shape_cast %slice3A_25 : vector<1x5120xf32> to vector<5120xf32>
    %swap3A_27 = arith.constant 0 : index
    %swap3A_28 = vector.load %arg8[%swap3A_27] : memref<5120xf32, #tpu.memory_space<vmem>>, vector<5120xf32>
    tpu.vector_store %arg8[%swap3A_27], %squeeze3A_26 {strides = array<i32>} : memref<5120xf32, #tpu.memory_space<vmem>>, vector<5120xf32>,
    return
  }
  func.func @transform_0(%arg0: i32) -> (i32, i32) {
    %c0_i32 = arith.constant 0 : i32
    %c0_i32_0 = arith.constant 0 : i32
    %c0_i32_1 = arith.constant 0 : i32
    return %c0_i32, %c0_i32_0 : i32, i32
  }
  func.func @transform_1(%arg0: i32) -> (i32, i32) {
    %c0_i32 = arith.constant 0 : i32
    %c0_i32_0 = arith.constant 0 : i32
    %c0_i32_1 = arith.constant 0 : i32
    return %c0_i32, %c0_i32_0 : i32, i32
  }
  func.func @transform_2(%arg0: i32) -> (i32, i32) {
    %c0_i32 = arith.constant 0 : i32
    %c0_i32_0 = arith.constant 0 : i32
    return %arg0, %c0_i32 : i32, i32
  }
  func.func @transform_3(%arg0: i32) -> (i32, i32) {
    %c0_i32 = arith.constant 0 : i32
    %c0_i32_0 = arith.constant 0 : i32
    return %arg0, %c0_i32 : i32, i32
  }
  func.func @transform_4(%arg0: i32) -> i32 {
    %c0_i32 = arith.constant 0 : i32
    return %arg0 : i32
  }
  func.func @transform_5(%arg0: i32) -> i32 {
    %c0_i32 = arith.constant 0 : i32
    return %arg0 : i32
  }
  func.func @transform_6(%arg0: i32) -> i32 {
    %c0_i32 = arith.constant 0 : i32
    return %arg0 : i32
  }
  func.func @transform_7(%arg0: i32) -> i32 {
    %c0_i32 = arith.constant 0 : i32
    return %arg0 : i32
  }
}

module attributes {stable_mosaic.version = 14 : i64} {
  func.func @_combine_body(%arg0: memref<1xf32, #tpu.memory_space<smem>>, %arg1: memref<10240xf32, #tpu.memory_space<vmem>>, %arg2: memref<10240xf32, #tpu.memory_space<vmem>>, %arg3: memref<2x10000xf32, #tpu.memory_space<vmem>>, %arg4: memref<2x10000xf32, #tpu.memory_space<vmem>>, %arg5: memref<1x40000xf32, #tpu.memory_space<vmem>>) attributes {dimension_semantics = [], scalar_prefetch = 0 : i64, scratch_operands = 0 : i64, tpu.core_type = #tpu.core_type<tc>} {
    %get3A = arith.constant 0 : index
    %get3A_0 = memref.load %arg0[%get3A] : memref<1xf32, #tpu.memory_space<smem>>
    %get3A_1 = arith.constant 0 : index
    %get3A_2 = vector.load %arg1[%get3A_1] : memref<10240xf32, #tpu.memory_space<vmem>>, vector<10000xf32>
    %add3A = vector.broadcast %get3A_0 : f32 to vector<10000xf32>
    %add3A_3 = arith.addf %get3A_2, %add3A : vector<10000xf32>
    %swap3A = arith.constant 0 : index
    %swap3A_4 = arith.constant 0 : index
    %swap3A_5 = vector.load %arg5[%swap3A, %swap3A_4] : memref<1x40000xf32, #tpu.memory_space<vmem>>, vector<1x10000xf32>
    %swap3A_6 = vector.shape_cast %swap3A_5 : vector<1x10000xf32> to vector<10000xf32>
    %swap3A_7 = vector.shape_cast %add3A_3 : vector<10000xf32> to vector<1x10000xf32>
    tpu.vector_store %arg5[%swap3A, %swap3A_4], %swap3A_7 {strides = array<i32>} : memref<1x40000xf32, #tpu.memory_space<vmem>>, vector<1x10000xf32>,
    %get3A_8 = arith.constant 0 : index
    %get3A_9 = arith.constant 0 : index
    %get3A_10 = vector.load %arg3[%get3A_8, %get3A_9] : memref<2x10000xf32, #tpu.memory_space<vmem>>, vector<1x10000xf32>
    %get3A_11 = vector.shape_cast %get3A_10 : vector<1x10000xf32> to vector<10000xf32>
    %get3A_12 = arith.constant 1 : index
    %get3A_13 = arith.constant 0 : index
    %get3A_14 = vector.load %arg3[%get3A_12, %get3A_13] : memref<2x10000xf32, #tpu.memory_space<vmem>>, vector<1x10000xf32>
    %get3A_15 = vector.shape_cast %get3A_14 : vector<1x10000xf32> to vector<10000xf32>
    %add3A_16 = arith.addf %get3A_11, %get3A_15 : vector<10000xf32>
    %swap3A_17 = arith.constant 0 : index
    %swap3A_18 = arith.constant 10000 : index
    %swap3A_19 = vector.load %arg5[%swap3A_17, %swap3A_18] : memref<1x40000xf32, #tpu.memory_space<vmem>>, vector<1x10000xf32>
    %swap3A_20 = vector.shape_cast %swap3A_19 : vector<1x10000xf32> to vector<10000xf32>
    %swap3A_21 = vector.shape_cast %add3A_16 : vector<10000xf32> to vector<1x10000xf32>
    tpu.vector_store %arg5[%swap3A_17, %swap3A_18], %swap3A_21 {strides = array<i32>} : memref<1x40000xf32, #tpu.memory_space<vmem>>, vector<1x10000xf32>,
    %get3A_22 = arith.constant 0 : index
    %get3A_23 = vector.load %arg2[%get3A_22] : memref<10240xf32, #tpu.memory_space<vmem>>, vector<10000xf32>
    %add3A_24 = vector.broadcast %get3A_0 : f32 to vector<10000xf32>
    %add3A_25 = arith.addf %get3A_23, %add3A_24 : vector<10000xf32>
    %swap3A_26 = arith.constant 0 : index
    %swap3A_27 = arith.constant 20000 : index
    %swap3A_28 = vector.load %arg5[%swap3A_26, %swap3A_27] : memref<1x40000xf32, #tpu.memory_space<vmem>>, vector<1x10000xf32>
    %swap3A_29 = vector.shape_cast %swap3A_28 : vector<1x10000xf32> to vector<10000xf32>
    %swap3A_30 = vector.shape_cast %add3A_25 : vector<10000xf32> to vector<1x10000xf32>
    tpu.vector_store %arg5[%swap3A_26, %swap3A_27], %swap3A_30 {strides = array<i32>} : memref<1x40000xf32, #tpu.memory_space<vmem>>, vector<1x10000xf32>,
    %get3A_31 = arith.constant 0 : index
    %get3A_32 = arith.constant 0 : index
    %get3A_33 = vector.load %arg4[%get3A_31, %get3A_32] : memref<2x10000xf32, #tpu.memory_space<vmem>>, vector<1x10000xf32>
    %get3A_34 = vector.shape_cast %get3A_33 : vector<1x10000xf32> to vector<10000xf32>
    %get3A_35 = arith.constant 1 : index
    %get3A_36 = arith.constant 0 : index
    %get3A_37 = vector.load %arg4[%get3A_35, %get3A_36] : memref<2x10000xf32, #tpu.memory_space<vmem>>, vector<1x10000xf32>
    %get3A_38 = vector.shape_cast %get3A_37 : vector<1x10000xf32> to vector<10000xf32>
    %add3A_39 = arith.addf %get3A_34, %get3A_38 : vector<10000xf32>
    %swap3A_40 = arith.constant 0 : index
    %swap3A_41 = arith.constant 30000 : index
    %swap3A_42 = vector.load %arg5[%swap3A_40, %swap3A_41] : memref<1x40000xf32, #tpu.memory_space<vmem>>, vector<1x10000xf32>
    %swap3A_43 = vector.shape_cast %swap3A_42 : vector<1x10000xf32> to vector<10000xf32>
    %swap3A_44 = vector.shape_cast %add3A_39 : vector<10000xf32> to vector<1x10000xf32>
    tpu.vector_store %arg5[%swap3A_40, %swap3A_41], %swap3A_44 {strides = array<i32>} : memref<1x40000xf32, #tpu.memory_space<vmem>>, vector<1x10000xf32>,
    return
  }
}

</mosaic_0001>

<sc_bundles>
// kernel: kernel.5.cloned.1.call-start
scs
__scs_entry_jumppad:
0x0: {  	(pc) =	sbr.rel $0x88, $3  }
0x1: {  	(tag) =	ssettag $0x0;
	lr =	simm.s32 $0x1  }
0x2: {  	[smem:$0x3F9A] =	sst lr;
	_ =	strace $0xD0000000  }
0x3: {  	_ = 	snop  }
0x4: {  	_ = 	snop  }
0x5: {  	_ = 	snop  }
0x6: {  	_ = 	snop  }
0x7: {  	_ = 	snop  }
__scs_overlays_trampoline_lowered:
0x8: {  	[smem:$0x3FA9] =	sst s0  }
0x9: {  	[smem:$0x3FAA] =	sst s1  }
0xa: {  	[smem:$0x3FAB] =	sst s2  }
0xb: {  	[smem:$0x3FAC] =	sst s3  }
0xc: {  	[smem:$0x3FAD] =	sst s4  }
0xd: {  	[smem:$0x3FAE] =	sst s5  }
0xe: {  	[smem:$0x3FAF] =	sst s6  }
0xf: {  	[smem:$0x3FB0] =	sst s7  }
0x10: {  	[smem:$0x3FB1] =	sst s8  }
0x11: {  	[smem:$0x3FB2] =	sst s9;
	s0 =	simm.s32 @!p0 $0x0  }
0x12: {  	s1 =	sld [smem:$0x3F98];
	s0 =	simm.s32 @p0 $0x1  }
0x13: {  	[smem:$0x3FB3] =	sst s0;
	s0 =	simm.s32 @!p1 $0x0  }
0x14: {  	s2 =	sld [smem:$0x3F97];
	s0 =	simm.s32 @p1 $0x1  }
0x15: {  	[smem:$0x3FB4] =	sst s0;
	s0 =	simm.s32 @!p2 $0x0  }
0x16: {  	s3 =	sld [smem:$0x3FDB];
	s0 =	simm.s32 @p2 $0x1  }
0x17: {  	s4 =	simm.s32 $0x1BF5;
	[smem:$0x3FB6] =	sst s0  }
0x18: {  	s0 =	sld [smem:$0x3F99];
	_ =	swait.ge [sflag:s4], $0x0  }
0x19: {  	s7 =	sld [smem:$0x3F9A]  }
0x1a: {  	s8 =	sadd.s32 $0xFFFFE003, lr  }
0x1b: {  	s9 =	sadd.s32 $0xFFFFFEF7, lr;
	s5 =	simm.s32 $0xFFFFFFFF;
	p2 =	slt.u32 s8, $0xFFFFF086  }
0x1c: {  	p1 =	slt.u32 s9, $0xF7A;
	s5 =	simm.s32 @!p2 $0x0  }
0x1d: {  	s5 =	simm.s32 @p1 $0x1;
	p0 =	seq.s32 s7, s2  }
0x1e: {  	s7 =	smul.u32 @!p0 $0xF7A, s2;
	p2 =	seq.s32 @!p0 s5, $0x0  }
0x1f: {  	s9 =	smul.u32 $0xF7A, s1;
	s8 =	simm.s32 @!p0 $0x1BF5;
	p2 =	por !p2, p0  }
0x20: {  	[sflag:s8] =	ssyncset.s32 @!p0 $0xFFFFF086;
	s6 =	sadd.s32 @!p0 s3, s7;
	s7 =	simm.s32 @!p0 $0x108  }
0x21: {  	s3 =	sadd.s32 s3, s9;
	s6 =	sadd.s32 @!p0 $0x88, s6;
	s7 =	simm.s32 @p2 $0x1082  }
0x22: {  	[simem:s7], [sflag:s8] =	dma.local @!p0 [hbm:s6], $0xF7A  }
0x23: {  	s9 =	sor.u32 $0xD0000000, s2;
	s6 =	simm.s32 $0x108;
	_ =	swait.ge @!p0 [sflag:s8], $0x0  }
0x24: {  	s3 =	sadd.s32 $0x88, s3;
	s6 =	simm.s32 @!p1 $0x1082;
	[sflag:s4] =	ssyncset.s32 $0xFFFFF086  }
0x25: {  	[simem:s6], [sflag:s4] =	dma.local [hbm:s3], $0xF7A  }
0x26: {  	[smem:$0x3F9A] =	sst s1;
	(tag) =	ssettag s2;
	_ =	strace s9  }
0x27: {  	s1 =	sld [smem:$0x3FAA]  }
0x28: {  	s2 =	sld [smem:$0x3FAB]  }
0x29: {  	s4 =	sld [smem:$0x3FAD]  }
0x2a: {  	p0 =	seq.s32 s5, $0x0;
	s5 =	sld [smem:$0x3FAE]  }
0x2b: {  	s6 =	sld [smem:$0x3FAF]  }
0x2c: {  	s7 =	sld [smem:$0x3FB0]  }
0x2d: {  	s3 =	simm.s32 $0x108;
	s8 =	sld [smem:$0x3FB1]  }
0x2e: {  	s3 =	simm.s32 @!p0 $0x1082;
	s9 =	sld [smem:$0x3FB2]  }
0x2f: {  	lr =	sadd.s32 s0, s3;
	s0 =	sld [smem:$0x3FA9]  }
0x30: {  	s3 =	sld [smem:$0x3FAC]  }
0x31: {  	[smem:$0x3FB5] =	sst s10  }
0x32: {  	s10 =	sld [smem:$0x3FB3];
	_ =	sdelay $0x3  }
0x33: {  	p0 =	seq.s32 s10, $0x1;
	s10 =	sld [smem:$0x3FB5];
	_ =	sdelay $0x3  }
0x34: {  	[smem:$0x3FB5] =	sst s10  }
0x35: {  	s10 =	sld [smem:$0x3FB4];
	_ =	sdelay $0x3  }
0x36: {  	p1 =	seq.s32 s10, $0x1;
	s10 =	sld [smem:$0x3FB5];
	_ =	sdelay $0x3  }
0x37: {  	[smem:$0x3FB5] =	sst s10  }
0x38: {  	s10 =	sld [smem:$0x3FB6]  }
0x39: {  	_ = 	snop;
	(pc) =	sbr.ind lr, $3  }
0x3a: {  	_ = 	snop  }
0x3b: {  	_ = 	snop  }
0x3c: {  	p2 =	seq.s32 s10, $0x1;
	s10 =	sld [smem:$0x3FB5]  }
0x3d: {  	_ =	shalt  }
0x3e: {  	_ =	shalt  }
0x3f: {  	_ =	shalt  }
0x40: {  	_ =	shalt  }
0x41: {  	_ =	shalt  }
0x42: {  	_ =	shalt  }
0x43: {  	_ =	shalt  }
0x44: {  	_ =	shalt  }
0x45: {  	_ =	shalt  }
0x46: {  	_ =	shalt  }
0x47: {  	_ =	shalt  }
0x48: {  	_ =	shalt  }
0x49: {  	_ =	shalt  }
0x4a: {  	_ =	shalt  }
0x4b: {  	_ =	shalt  }
0x4c: {  	_ =	shalt  }
0x4d: {  	_ =	shalt  }
0x4e: {  	_ =	shalt  }
0x4f: {  	_ =	shalt  }
0x50: {  	_ =	shalt  }
0x51: {  	_ =	shalt  }
0x52: {  	_ =	shalt  }
0x53: {  	_ =	shalt  }
0x54: {  	_ =	shalt  }
0x55: {  	_ =	shalt  }
0x56: {  	_ =	shalt  }
0x57: {  	_ =	shalt  }
0x58: {  	_ =	shalt  }
0x59: {  	_ =	shalt  }
0x5a: {  	_ =	shalt  }
0x5b: {  	_ =	shalt  }
0x5c: {  	_ =	shalt  }
0x5d: {  	_ =	shalt  }
0x5e: {  	_ =	shalt  }
0x5f: {  	_ =	shalt  }
0x60: {  	_ =	shalt  }
0x61: {  	_ =	shalt  }
0x62: {  	_ =	shalt  }
0x63: {  	_ =	shalt  }
0x64: {  	_ =	shalt  }
0x65: {  	_ =	shalt  }
0x66: {  	_ =	shalt  }
0x67: {  	_ =	shalt  }
0x68: {  	_ =	shalt  }
0x69: {  	_ =	shalt  }
0x6a: {  	_ =	shalt  }
0x6b: {  	_ =	shalt  }
0x6c: {  	_ =	shalt  }
0x6d: {  	_ =	shalt  }
0x6e: {  	_ =	shalt  }
0x6f: {  	_ =	shalt  }
0x70: {  	_ =	shalt  }
0x71: {  	_ =	shalt  }
0x72: {  	_ =	shalt  }
0x73: {  	_ =	shalt  }
0x74: {  	_ =	shalt  }
0x75: {  	_ =	shalt  }
0x76: {  	_ =	shalt  }
0x77: {  	_ =	shalt  }
0x78: {  	_ =	shalt  }
0x79: {  	_ =	shalt  }
0x7a: {  	_ =	shalt  }
0x7b: {  	_ =	shalt  }
0x7c: {  	_ =	shalt  }
0x7d: {  	_ =	shalt  }
0x7e: {  	_ =	shalt  }
0x7f: {  	_ =	shalt  }
0x80: {  	_ =	shalt  }
0x81: {  	_ =	shalt  }
0x82: {  	_ =	shalt  }
0x83: {  	_ =	shalt  }
0x84: {  	_ =	shalt  }
0x85: {  	_ =	shalt  }
0x86: {  	_ =	shalt  }
0x87: {  	_ =	shalt  }
.Lfunc_end0:
.L_simem_size_0:
called_computation_lowered:
.L_overlay_start_0:
0x88: {  	s2 =	sld [smem:$0x3FD9]  }
0x89: {  	s3 =	sld [smem:$0x3FFE];
	_ =	sdelay $0x1  }
0x8a: {  	s1 =	srdreg.scid  }
0x8b: {  	s0 =	sand.u32 $0x1, s1  }
0x8c: {  	s17 =	sshll.u32 s0, $0xA;
	s2 =	sadd.s32 s3, s2  }
0x8d: {  	s2 =	sadd.s32 s2, s17  }
0x8e: {  	[smem:$0x3FC1] =	sst s2  }
0x8f: {  	_ = 	snop  }
0x90: {  	s2 =	sld [smem:$0x3FC6]  }
0x91: {  	s18 =	sld [smem:$0x3FC5]  }
0x92: {  	s4 =	sld [smem:$0x3FD0];
	(tm) =	ssettm $0x1  }
0x93: {  	s5 =	sld [smem:$0x3FFB];
	_ =	sdelay $0x3  }
0x94: {  	_ =	strace s5  }
0x95: {  	s5 =	sld [smem:$0x3FFC];
	_ =	sdelay $0x3  }
0x96: {  	_ =	strace s5  }
0x97: {  	s5 =	sld [smem:$0x3FFD];
	_ =	sdelay $0x3  }
0x98: {  	_ =	strace s5  }
0x99: {  	_ =	strace $0x8FFFFFFF  }
0x9a: {  	s19 =	sld [smem:$0x3FDB];
	_ =	sdelay $0x1  }
0x9b: {  	s6 =	simm.s32 $_scs_section_size  }
0x9c: {  	s7 =	simm.s32 $_size__tile_overlayer_lowered;
	s8 =	simm.s32 $_tile_overlayer_lowered  }
0x9d: {  	s22 =	simm.s32 $0x1BFF;
	s21 =	sshll.u32 s8, $0x1;
	s5 =	sadd.s32 s6, s19  }
0x9e: {  	s9 =	simm.s32 $0x0;
	s20 =	sshll.u32 s7, $0x1;
	s7 =	sadd.s32 s21, s5  }
0x9f: {  	[timem:s9], [sflag:s22] =	dma.local [hbm:s7], s20  }
0xa0: {  	_ =	swait.ge [sflag:s22], s20  }
0xa1: {  	s6 =	ssub.s32 $0x0, s20;
	[sflag:s22] =	ssyncset.done $0x0  }
0xa2: {  	[sflag:s22] =	ssyncadd.s32 s6;
	_ =	sdelay $0x1  }
0xa3: {  	s23 =	simm.s32 $0x1B8B  }
0xa4: {  	_ =	swait.ge [sflag:s23], $0x1  }
0xa5: {  	[sflag:s23] =	ssyncset.done $0x0  }
0xa6: {  	s25 =	simm.s32 $0x1B8E;
	s24 =	sld [smem:$0x3FFE];
	[sflag:s23] =	ssyncadd.s32 $0xFFFFFFFF  }
0xa7: {  	s26 =	simm.s32 $execute0_lowered;
	[smem:$0x3FD2] =	sst s25  }
0xa8: {  	s7 =	sshll.u32 s26, $0x1;
	_ =	strace $0x80000046;
	[dreg:$0x1] =	wrdreg $0xFFFFFFFF  }
0xa9: {  	s28 =	simm.s32 $_size_execute0_lowered;
	s5 =	sadd.s32 s5, s7;
	[dreg:$0x0] =	wrdreg $0x0  }
0xaa: {  	s7 =	sshll.u32 s28, $0x1;
	[dreg:$0x2] =	wrdreg s5  }
0xab: {  	[dreg:$0x3] =	wrdreg s7  }
0xac: {  	[dreg:$0x4] =	wrdreg $0xC0  }
0xad: {  	_ =	task [dreg:s9], $0x5FFFF  }
0xae: {  	[dreg:$0x1] =	wrdreg $0xFFFFFFFF  }
0xaf: {  	[dreg:$0x0] =	wrdreg $0x60  }
0xb0: {  	[dreg:$0x2] =	wrdreg s24  }
0xb1: {  	[dreg:$0x3] =	wrdreg s2  }
0xb2: {  	[dreg:$0x4] =	wrdreg s18  }
0xb3: {  	[dreg:$0x5] =	wrdreg s4  }
0xb4: {  	[dreg:$0x6] =	wrdreg $0xB9000  }
0xb5: {  	[dreg:$0x7] =	wrdreg $0xB4000  }
0xb6: {  	[dreg:$0x8] =	wrdreg $0xBB780  }
0xb7: {  	[dreg:$0x9] =	wrdreg $0xB6800  }
0xb8: {  	[dreg:$0xa] =	wrdreg $0x9  }
0xb9: {  	_ =	task.clear_ibuf [dreg:s9], $0xBFFFF;
	_ =	strace $0x90000046  }
0xba: {  	s29 =	simm.s32 $0x9;
	_ =	strace $0x80000048  }
0xbb: {  	_ =	swait.ge [sflag:s29], $0x1  }
0xbc: {  	[sflag:s29] =	ssyncadd.s32 $0xFFFFFFFF  }
0xbd: {  	_ =	strace $0x90000048  }
0xbe: {  	_ =	sfence  }
0xbf: {  	s30 =	sld [smem:$0x0];
	_ =	sdelay $0x2  }
0xc0: {  	s31 =	sshll.u32 s1, $0xD;
	s1 =	sshrl.u32 s1, $0x2  }
0xc1: {  	s3 =	sand.u32 $0x4000, s31;
	s1 =	sadd.s32 s1, s30  }
0xc2: {  	s0 =	sor.u32 s3, s0;
	s1 =	sshll.u32 s1, $0x11  }
0xc3: {  	s0 =	sor.u32 s1, s0  }
0xc4: {  	s0 =	sadd.s32 $0x8F2B, s0  }
0xc5: {  	[sflag:s0] =	ssyncadd.remote.s32 $0x1  }
0xc6: {  	_ =	sfence.sel $0xFFFF  }
0xc7: {  	[dreg:$0x0] =	wrdreg $0xFFFFFFFF;
	(pc) =	sbr.abs _section_cstart, $3  }
0xc8: {  	[dreg:$0x1] =	wrdreg $0xFFFFFFFF  }
0xc9: {  	_ =	task.clear_ibuf [dreg:s9], $0x2FFFF;
	_ =	strace $0x9FFFFFFF  }
0xca: {  	(tm) =	ssettm $0x7FFFFFFF  }
0xcb: {  	_ =	shalt  }
tec
execute0_lowered:
.L_overlay_start_1:
0x0: {  	(tag) =	ssettag $0x1  }
0x1: {  	s0 =	rddreg [dreg:$0x0]  }
0x2: {  	s4 =	rddreg [dreg:$0x1]  }
0x3: {  	s7 =	rddreg [dreg:$0x2]  }
0x4: {  	s8 =	rddreg [dreg:$0x3]  }
0x5: {  	s1 =	rddreg [dreg:$0x4]  }
0x6: {  	s2 =	rddreg [dreg:$0x5]  }
0x7: {  	s3 =	rddreg [dreg:$0x6]  }
0x8: {  	s20 =	rddreg [dreg:$0x7];
	s5 =	srdreg.scid;
	s6 =	simm.s32 $0x0  }
0x9: {  	s28 =	simm.s32 $0x3;
	s29 =	simm.s32 $0x3C00;
	s30 =	simm.s32 $0x8C00  }
0xa: {  	s31 =	simm.s32 $0xA000;
	s10 =	sand.u32 $0x1, s5;
	[smem:$0x7FF] =	sst s6  }
0xb: {  	s5 =	stileid.u32;
	s9 =	sadd.s32 $0x2000, s0;
	s11 =	sadd.s32 $0x1A00, s0  }
0xc: {  	s25 =	sshrl.u32 s3, $0x3;
	_ =	strace $0x80000047;
	[dreg:$0x9] =	wrdreg s9  }
0xd: {  	s26 =	sshrl.u32 s20, $0x3;
	s12 =	sshll.u32 s10, $0x4;
	[dreg:$0xa] =	wrdreg s11  }
0xe: {  	s19 =	ssub.s32 $0x2, s10;
	s9 =	sadd.s32 $0x2600, s0;
	s22 =	smul.u32 $0x14000, s10  }
0xf: {  	s16 =	smul.u32 $0x1400, s5;
	p0 =	sne.s32 s5, $0x0;
	[dreg:$0xb] =	wrdreg s25  }
0x10: {  	p1 =	seq.s32 s5, $0x1;
	[dreg:$0xc] =	wrdreg s26;
	s25 =	simm.s32 $0x7800  }
0x11: {  	s26 =	simm.s32 $0x2;
	s18 =	sor.u32 s5, s12;
	s0 =	sadd.s32 s12, s0  }
0x12: {  	s13 =	sshrl.u32 s19, $0x1;
	s12 =	sadd.s32 s8, s12;
	s17 =	smul.u32 $0x1400, s18  }
0x13: {  	s14 =	ssub.s32 s19, s13;
	s24 =	sadd.s32 s16, s22;
	s13 =	sadd.s32 $0x2C00, s0  }
0x14: {  	s19 =	simm.s32 $0x4;
	s16 =	smov.u32 s20;
	s21 =	smin.u32 s17, $0x25D00  }
0x15: {  	s22 =	simm.s32 $0x1400;
	s14 =	smax.u32 s14, $0x1;
	s23 =	sshrl.u32 s21, $0x2  }
0x16: {  	s15 =	sshrl.u32 s21, $0x3;
	s18 =	sadd.s32 $0x1400, s21;
	s21 =	simm.s32 $0x1  }
0x17: {  	s10 =	sadd.s32 s4, s23;
	s11 =	sadd.s32 s7, s15;
	s15 =	smin.u32 s24, $0x25D00  }
0x18: {  	v2 =	vlaneseq.u32;
	v0 =	vmov s17;
	s23 =	simm.s32 $0x2800;
	s24 =	simm.s32 $0x6400;
	v1 =	vmov s18;
	s7 =	simm.s32 $0x0  }
.LBB2_1:
.Ltmp0:
0x19: {  	(pc) =	sbr.rel @p1 .LBB2_4-.Ltmp0, $4  }
0x1a: {  	_ = 	snop  }
0x1b: {  	[tilespmem:s6], [sflag:$0x1] =	stream.linear.gather [hbm4b:s10+s6], $0x2800, $0x38;
	[tilespmem:$0xBDF0] =	vst v63  }
0x1c: {  	s0 =	simm.s32 $0x5000  }
0x1d: {  	[tilespmem:s0], [sflag:$0x1] =	stream.linear.gather [hbm4b:s11+s6], $0x1400, $0x38;
	[tilespmem:$0xBDF0] =	vst v63  }
.Ltmp1:
0x1e: {  	(pc) =	sbr.rel @p0 .LBB2_6-.Ltmp1, $2  }
0x1f: {  	_ =	sdelay $0x2  }
0x20: {  	p2 =	por $0x0, $0x0  }
0x21: {  	s0 =	sshrl.u32 s1, $0x3;
	s8 =	simm.s32 $0x1C04  }
0x22: {  	[spmem:s0], [sflag:s8] =	dma.local [hbm:s9], $0x4F0  }
.Ltmp2:
0x23: {  	_ = 	snop;
	(pc) =	sbr.rel .LBB2_5-.Ltmp2, $4  }
0x24: {  	_ =	swait.ge [sflag:s19], $0x4F0  }
0x25: {  	[sflag:s19] =	ssyncset.done $0x0  }
0x26: {  	s20 =	sshrl.u32 s2, $0x3;
	s4 =	rddreg [dreg:$0x9];
	[sflag:s19] =	ssyncadd.s32 $0xFFFFFB10  }
0x27: {  	[spmem:s20], [sflag:s8] =	dma.local [hbm:s4], $0x500  }
.LBB2_4:
0x28: {  	s0 =	rddreg [dreg:$0xb];
	s4 =	simm.s32 $0x1C44  }
0x29: {  	[spmem:s0], [sflag:s4] =	dma.local [hbm:s9], $0x4F0  }
0x2a: {  	_ =	swait.ge [sflag:s19], $0x4F0  }
0x2b: {  	[sflag:s19] =	ssyncset.done $0x0;
	s20 =	rddreg [dreg:$0xa]  }
0x2c: {  	s8 =	rddreg [dreg:$0xc];
	[sflag:s19] =	ssyncadd.s32 $0xFFFFFB10  }
0x2d: {  	[spmem:s8], [sflag:s4] =	dma.local [hbm:s20], $0x500  }
.LBB2_5:
0x2e: {  	_ =	swait.ge [sflag:s19], $0x500  }
0x2f: {  	[sflag:s19] =	ssyncset.done $0x0  }
0x30: {  	p2 =	por p0, p0;
	[sflag:s19] =	ssyncadd.s32 $0xFFFFFB00  }
.LBB2_6:
0x31: {  	_ =	swait.ge [sflag:s21], $0x2800  }
0x32: {  	[sflag:s21] =	ssyncset.done $0x0  }
0x33: {  	[sflag:s21] =	ssyncadd.s32 $0xFFFFD800  }
0x34: {  	s0 =	simm.s32 $0x0;
	_ =	swait.ge [sflag:s21], $0x1400  }
0x35: {  	s4 =	sand.u32 $0x70, s0;
	s0 =	sand.u32 $0x3F00, s0;
	[sflag:s21] =	ssyncset.done $0x0  }
0x36: {  	s0 =	sor.u32 s4, s0;
	[sflag:s21] =	ssyncadd.s32 $0xFFFFEC00  }
0x37: {  	v3 =	vld [tilespmem:s0+$0x0];
	_ =	sdelay $0x3  }
0x38: {  	s18 =	simm.s32 $0x3C00  }
0x39: {  	[tilespmem:s18+$0x0] =	vst v3  }
0x3a: {  	v3 =	vld [tilespmem:s0+$0x80];
	_ =	sdelay $0x2  }
0x3b: {  	s8 =	simm.s32 $0x2800;
	s20 =	simm.s32 $0x10;
	s17 =	simm.s32 $0x20  }
0x3c: {  	s4 =	sand.u32 $0x3F00, s17;
	s0 =	sand.u32 $0x70, s20;
	s20 =	simm.s32 $0x20  }
.LBB2_7:
0x3d: {  	p3 =	sne.s32 s20, $0x13F0;
	s0 =	sor.u32 s0, s4;
	[tilespmem:s8+$0x0] =	vst v3  }
0x3e: {  	v3 =	vld [tilespmem:s0+$0x0];
	_ =	sdelay $0x3  }
0x3f: {  	s18 =	sadd.s32 $0x10, s18  }
0x40: {  	[tilespmem:s18+$0x0] =	vst v3  }
.Ltmp3:
0x41: {  	v3 =	vld [tilespmem:s0+$0x80];
	(pc) =	sbr.rel @p3 .LBB2_7-.Ltmp3, $3  }
0x42: {  	_ =	sdelay $0x1  }
0x43: {  	s17 =	sadd.s32 $0x20, s17;
	s8 =	sadd.s32 $0x10, s8  }
0x44: {  	s4 =	sand.u32 $0x3F00, s17;
	s0 =	sand.u32 $0x70, s20;
	s20 =	sadd.s32 $0x10, s20  }
0x45: {  	s0 =	sor.u32 s0, s4;
	[tilespmem:s8+$0x0] =	vst v3  }
0x46: {  	v3 =	vld [tilespmem:s0+$0x0];
	_ =	sdelay $0x3  }
0x47: {  	s18 =	sadd.s32 $0x10, s18  }
0x48: {  	[tilespmem:s18+$0x0] =	vst v3  }
0x49: {  	v3 =	vld [tilespmem:s0+$0x80];
	_ =	sdelay $0x3  }
0x4a: {  	s20 =	sadd.s32 $0x10, s8  }
0x4b: {  	[tilespmem:s20+$0x0] =	vst v3  }
0x4c: {  	[bflag:$0x0] =	sbarrier.arrive $0xFFFF  }
0x4d: {  	[tilespmem:s24], [sflag:$0x2] =	stream.indirect.gather [spmem:s2], $0x1, s23, s22, $0xb8;
	[tilespmem:$0xBDF0] =	vst v63  }
0x4e: {  	_ = 	snop  }
0x4f: {  	[tilespmem:s25], [sflag:$0x3] =	stream.indirect.gather [spmem:s16], $0x1, s23, s22, $0xb8;
	[tilespmem:$0xBDF0] =	vst v63  }
0x50: {  	_ =	swait.ge [sflag:s26], $0x1400  }
0x51: {  	[sflag:s26] =	ssyncset.done $0x0  }
0x52: {  	[sflag:s26] =	ssyncadd.s32 $0xFFFFEC00  }
0x53: {  	_ =	swait.ge [sflag:s28], $0x1400  }
0x54: {  	[sflag:s28] =	ssyncset.done $0x0  }
0x55: {  	s8 =	simm.s32 $0x0;
	[sflag:s28] =	ssyncadd.s32 $0xFFFFEC00  }
0x56: {  	v3 =	vld [tilespmem:s8+$0x5000]  }
0x57: {  	v5 =	vor.u32 s15, v2;
	v4 =	vld [tilespmem:s8+$0x7800]  }
0x58: {  	vm0 =	vge.u32 v5, v0;
	vm1 =	vlt.u32 v5, v1;
	v5 =	vld [tilespmem:s8+$0x6400];
	_ =	sdelay $0x1  }
0x59: {  	s17 =	simm.s32 $0x40;
	vm0 =	vmand vm0, vm1;
	s18 =	smov.u32 s15  }
.LBB2_9:
0x5a: {  	s0 =	sshra.s32 s17, $0x2;
	p3 =	sne.s32 s17, $0x4FC0;
	s17 =	sadd.s32 $0x40, s17;
	v6 =	vnsel vm0, $0x0, v3  }
.Ltmp4:
0x5b: {  	v3 =	vld [tilespmem:s0+$0x5000];
	v7 =	vmul.f32 v4, v6;
	(pc) =	sbr.rel @p3 .LBB2_9-.Ltmp4, $4  }
0x5c: {  	s18 =	sadd.s32 $0x10, s18;
	v4 =	vld [tilespmem:s0+$0x7800];
	v6 =	vmul.f32 v5, v6  }
0x5d: {  	v8 =	vor.u32 s18, v2;
	v5 =	vld [tilespmem:s0+$0x6400];
	[tilespmem:s8+$0xA000] =	vst v7  }
0x5e: {  	vm0 =	vge.u32 v8, v0;
	vm1 =	vlt.u32 v8, v1;
	[tilespmem:s8+$0x8C00] =	vst v6;
	s8 =	smov.u32 s0  }
0x5f: {  	vm0 =	vmand vm0, vm1  }
0x60: {  	v3 =	vnsel vm0, $0x0, v3  }
0x61: {  	v4 =	vmul.f32 v4, v3  }
0x62: {  	v3 =	vmul.f32 v5, v3  }
0x63: {  	[tilespmem:s8+$0xA000] =	vst v4  }
0x64: {  	[tilespmem:s8+$0x8C00] =	vst v3  }
0x65: {  	[spmem:s1] =	stream.indirect.scatter.add.f32 [tilespmem:s30], [sflag:$0x4], $0x1, s29, s22, $0xb8;
	[tilespmem:$0xBDF0] =	vst v63  }
0x66: {  	_ =	swait.ge [sflag:s19], $0x1400  }
0x67: {  	[sflag:s19] =	ssyncset.done $0x0  }
0x68: {  	[sflag:s19] =	ssyncadd.s32 $0xFFFFEC00  }
0x69: {  	[spmem:s3] =	stream.indirect.scatter.add.f32 [tilespmem:s31], [sflag:$0x4], $0x1, s29, s22, $0xb8;
	[tilespmem:$0xBDF0] =	vst v63  }
0x6a: {  	_ =	swait.ge [sflag:s19], $0x1400  }
0x6b: {  	s0 =	sshrl.u32 @!p0 s1, $0x3;
	s4 =	simm.s32 @!p0 $0x1;
	[sflag:s19] =	ssyncset.done $0x0  }
0x6c: {  	s17 =	simm.s32 @!p0 $0x10;
	s18 =	simm.s32 @!p0 $0x1C04;
	[sflag:s19] =	ssyncadd.s32 $0xFFFFEC00  }
0x6d: {  	s7 =	sadd.s32 $0x1, s7;
	s8 =	simm.s32 @!p0 $0x20;
	[bflag:$0x0] =	sbarrier.arrive $0xFFFF  }
0x6e: {  	[hbm:s12@s8], [sflag:s18] =	dma.strided @!p0 [spmem:s0@s17], $0x4F0, s4, $0x10   }
0x6f: {  	p3 =	sne.s32 s7, s14;
	s0 =	simm.s32 @!p0 $0x4  }
0x70: {  	s4 =	sshll.u32 @p2 s5, $0x6;
	s8 =	simm.s32 @p2 $0x1;
	_ =	swait.ge @!p0 [sflag:s0], $0x4F0  }
0x71: {  	s17 =	simm.s32 @p2 $0x20;
	s18 =	simm.s32 @p2 $0x10;
	[sflag:s0] =	ssyncset.done @!p0 $0x0  }
0x72: {  	[sflag:s0] =	ssyncadd.s32 @!p0 $0xFFFFFB10;
	s0 =	sor.u32 @p2 $0x1C04, s4;
	s4 =	sshrl.u32 @p2 s3, $0x3  }
0x73: {  	[hbm:s13@s17], [sflag:s0] =	dma.strided @p2 [spmem:s4@s18], $0x4F0, s8, $0x10   }
.Ltmp5:
0x74: {  	_ = 	snop;
	(pc) =	sbr.rel @p3 .LBB2_1-.Ltmp5, $4  }
0x75: {  	s0 =	simm.s32 @p2 $0x4  }
0x76: {  	_ =	swait.ge @p2 [sflag:s0], $0x4F0  }
0x77: {  	[sflag:s0] =	ssyncset.done @p2 $0x0  }
0x78: {  	[sflag:s0] =	ssyncadd.s32 @p2 $0xFFFFFB10  }
0x79: {  	_ =	sfence.sel $0x180000  }
0x7a: {  	[bflag:$0x0] =	sbarrier.arrive $0xFFFF  }
0x7b: {  	_ =	strace $0x90000047  }
0x7c: {  	[bflag:$0x2] =	sbarrier.arrive $0xFFFF  }
0x7d: {  	p0 =	sne.s32 s5, $0x0;
	s0 =	rddreg [dreg:$0x8]  }
0x7e: {  	s0 =	sadd.s32 @!p0 $0x100000, s0  }
0x7f: {  	[sflag:s0] =	ssyncadd.tile.s32 @!p0 $0x1;
	_ =	shalt  }
.Lfunc_end2:
_tile_overlayer_lowered:
.L_overlay_start_2:
0x80: {  	(tag) =	ssettag $0x2  }
0x81: {  	s0 =	rddreg [dreg:$0x0];
	s2 =	stileid.u32  }
0x82: {  	s1 =	rddreg [dreg:$0x1];
	p0 =	sne.s32 s2, $0x0  }
0x83: {  	s3 =	rddreg [dreg:$0x2];
	[bflag:$0x3] =	sbarrier.arrive $0xFFFF;
	s2 =	simm.s32 @!p0 $0x1C04  }
0x84: {  	[timem:s3], [sflag:s2] =	dma.local @!p0 [hbm:s0], s1  }
0x85: {  	s0 =	simm.s32 @!p0 $0x4  }
0x86: {  	_ =	swait.ge @!p0 [sflag:s0], s1  }
0x87: {  	s1 =	ssub.s32 @!p0 $0x0, s1;
	[sflag:s0] =	ssyncset.done @!p0 $0x0  }
0x88: {  	[sflag:s0] =	ssyncadd.s32 @!p0 s1  }
0x89: {  	[bflag:$0x3] =	sbarrier.arrive $0xFFFF  }
0x8a: {  	_ =	shalt  }

</sc_bundles>
